<compile_context>
chip_gen: v7x
topology: tpu7x:2x2x1
jax: 0.10.2.dev20260603
libtpu: 0.0.44.dev20260713+nightly
codegen_flags: <defaults>
</compile_context>

<pallas_src>
import jax
import jax.numpy as jnp
from jax import lax
from jax.experimental import pallas as pl
from jax.experimental.pallas import tpu as pltpu
from jax.experimental.pallas import tpu_sc as plsc

_NC = 2
_NS = 16
_NW = _NC * _NS
_L = 16

_VOCAB = 160
_VPAD = 256
_D = 1024
_B = 4 * 8192
_C = 32

_B_SC = 4096
_BPW = _B_SC // _NW
_NCHUNK = _BPW // _C

_B_TC = _B - _B_SC
_TBLK = 2048

_NMASK = _B // _NW // _C


def _sc_body(idx_hbm, midx_hbm, table_hbm, out_hbm, mask_hbm,
             idx_v, mask_v, rows_a, rows_b, gsem, osem_a, osem_b):
    wid = lax.axis_index("s") * _NC + lax.axis_index("c")
    base = wid * _BPW

    pltpu.sync_copy(idx_hbm.at[wid], idx_v)

    bufs = (rows_a, rows_b)
    osems = (osem_a, osem_b)
    for c in range(_NCHUNK):
        b = c % 2
        pltpu.async_copy(table_hbm.at[idx_v.at[c]], bufs[b], gsem).wait()
        pltpu.async_copy(bufs[b], out_hbm.at[pl.ds(base + c * _C, _C)],
                         osems[b])

    pltpu.sync_copy(midx_hbm.at[wid], mask_v)

    def mrow(c, carry):
        for j in range(_C // _L):
            v = mask_v[c, pl.ds(j * _L, _L)]
            mask_v[c, pl.ds(j * _L, _L)] = jnp.where(
                v == 0, jnp.int32(1), jnp.int32(0))
        return carry

    lax.fori_loop(0, _NMASK, mrow, 0)
    pltpu.sync_copy(mask_v, mask_hbm.at[wid])

    for b in range(2):
        pltpu.make_async_copy(bufs[b], out_hbm.at[pl.ds(base, _C)],
                              osems[b]).wait()


def _tc_body(toks_ref, table_ref, out_ref):
    toks = toks_ref[0, 0, :]
    iota = lax.broadcasted_iota(jnp.int32, (1, _VOCAB), 1)
    onehot = jnp.equal(toks[:, None], iota).astype(jnp.float32)
    out_ref[...] = jnp.dot(onehot, table_ref[...],
                           preferred_element_type=jnp.float32)


def kernel(token_id, embed_weight):
    tid = token_id.astype(jnp.int32)
    flat = tid.reshape(_B)
    idx_sc = flat[:_B_SC].reshape(_NW, _NCHUNK, _C)
    idx_all = flat.reshape(_NW, _NMASK, _C)
    toks_tc = flat[_B_SC:].reshape(_B_TC // _TBLK, 1, _TBLK)

    mesh = plsc.VectorSubcoreMesh(core_axis_name="c", subcore_axis_name="s")
    sc_out, mask = pl.kernel(
        _sc_body,
        out_type=[
            jax.ShapeDtypeStruct((_B_SC, _D), jnp.float32),
            jax.ShapeDtypeStruct((_NW, _NMASK, _C), jnp.int32),
        ],
        mesh=mesh,
        scratch_types=[
            pltpu.VMEM((_NCHUNK, _C), jnp.int32),
            pltpu.VMEM((_NMASK, _C), jnp.int32),
            pltpu.VMEM((_C, _D), jnp.float32),
            pltpu.VMEM((_C, _D), jnp.float32),
            pltpu.SemaphoreType.DMA,
            pltpu.SemaphoreType.DMA,
            pltpu.SemaphoreType.DMA,
        ],
    )(idx_sc, idx_all, embed_weight)

    tc_out = pl.pallas_call(
        _tc_body,
        grid=(_B_TC // _TBLK,),
        in_specs=[
            pl.BlockSpec((1, 1, _TBLK), lambda i: (i, 0, 0)),
            pl.BlockSpec((_VOCAB, _D), lambda i: (0, 0)),
        ],
        out_specs=pl.BlockSpec((_TBLK, _D),
                               lambda i: (i + _B_SC // _TBLK, 0)),
        out_shape=jax.ShapeDtypeStruct((_B, _D), jnp.float32),
    )(toks_tc, embed_weight)

    x = lax.dynamic_update_slice(tc_out, sc_out, (0, 0))
    x = x.reshape(token_id.shape[0], token_id.shape[1], _D)
    padding_mask = mask.reshape(token_id.shape).astype(bool)
    return (x, padding_mask, token_id)

# --- scband reference (transcript-rebuilt; emitter-appended) ---
"""Pipeline reference for scband-psmmix-embedding-65841848647903 (READ-ONLY COPY).

The authoritative reference and input builder live on the scoring server;
editing this copy changes nothing except your own understanding.
"""

import jax, jax.numpy as jnp
import numpy as np

VOCAB = 160
EMBED_DIM = 1024
BATCH = 4
SEQ = 8192

def setup_inputs(seed: int = 0) -> dict:
    key = jax.random.key(seed)
    k1, k2 = jax.random.split(key)
    token_id = jax.random.randint(k1, (BATCH, SEQ), 0, VOCAB, dtype=jnp.int64 if jax.config.jax_enable_x64 else jnp.int32)
    embed_weight = jax.random.normal(k2, (VOCAB, EMBED_DIM), dtype=jnp.float32) * (1.0 / np.sqrt(EMBED_DIM))
    return {"token_id": token_id, "embed_weight": embed_weight}

def reference(token_id, embed_weight):
    # PSMMixEmbedding.forward
    padding_mask = jnp.equal(token_id, 0)
    mask_token_type = token_id
    x = jnp.take(embed_weight, token_id, axis=0)  # nn.Embedding lookup
    return (x, padding_mask, mask_token_type)

if __name__ == "__main__":
    import jax
    _d = setup_inputs()
    print(jax.jit(kernel)(*tuple(_d.values())))

</pallas_src>

<mosaic_0001>
#map = affine_map<(d0, d1) -> (0, 0, 0)>
#map1 = affine_map<(d0, d1) -> (0, 0)>
module attributes {stable_mosaic.version = 14 : i64} {
  func.func @_sc_body(%arg0: i32, %arg1: i32, %arg2: memref<32x4x32xi32, #tpu.memory_space<hbm>>, %arg3: memref<32x32x32xi32, #tpu.memory_space<hbm>>, %arg4: memref<160x1024xf32, #tpu.memory_space<hbm>>, %arg5: memref<4096x1024xf32, #tpu.memory_space<hbm>>, %arg6: memref<32x32x32xi32, #tpu.memory_space<hbm>>, %arg7: memref<4x32xi32, #tpu.memory_space<vmem>>, %arg8: memref<32x32xi32, #tpu.memory_space<vmem>>, %arg9: memref<32x1024xf32, #tpu.memory_space<vmem>>, %arg10: memref<32x1024xf32, #tpu.memory_space<vmem>>, %arg11: memref<!tpu.dma_semaphore, #tpu.memory_space<semaphore_mem>>, %arg12: memref<!tpu.dma_semaphore, #tpu.memory_space<semaphore_mem>>, %arg13: memref<!tpu.dma_semaphore, #tpu.memory_space<semaphore_mem>>) attributes {dimension_semantics = [#tpu.dimension_semantics<core_parallel>, #tpu.dimension_semantics<subcore_parallel>], iteration_bounds = array<i64: 2, 16>, scalar_prefetch = 0 : i64, scratch_operands = 7 : i64, tpu.core_type = #tpu.core_type<sc_vector_subcore>, window_params = [{transform_indices = #map}, {transform_indices = #map}, {transform_indices = #map1}, {transform_indices = #map1}, {transform_indices = #map}]} {
    %mul3A = arith.constant 2 : i32
    %mul3A_0 = arith.muli %arg1, %mul3A : i32
    %add3A = arith.addi %mul3A_0, %arg0 : i32
    %mul3A_1 = arith.constant 128 : i32
    %mul3A_2 = arith.muli %add3A, %mul3A_1 : i32
    "tpu.region"() ({
      %run_scoped3A = tpu.sem_alloc : memref<!tpu.dma_semaphore, #tpu.memory_space<semaphore_mem>>
      %dma_start3A_94 = arith.constant 0 : i32
      %dma_start3A_95 = arith.constant 0 : i32
      %dma_start3A_96 = tpu.memref_slice %arg2[%add3A, %dma_start3A_94, %dma_start3A_95] : memref<32x4x32xi32, #tpu.memory_space<hbm>> -> memref<1x4x32xi32, #tpu.memory_space<hbm>>
      %dma_start3A_97 = tpu.memref_squeeze %dma_start3A_96 : memref<1x4x32xi32, #tpu.memory_space<hbm>> -> memref<4x32xi32, #tpu.memory_space<hbm>>
      %dma_start3A_98 = arith.constant 0 : i32
      %dma_start3A_99 = arith.constant 0 : i32
      %dma_start3A_100 = tpu.memref_slice %arg2[%add3A, %dma_start3A_98, %dma_start3A_99] : memref<32x4x32xi32, #tpu.memory_space<hbm>> -> memref<1x4x32xi32, #tpu.memory_space<hbm>>
      %dma_start3A_101 = tpu.memref_squeeze %dma_start3A_100 : memref<1x4x32xi32, #tpu.memory_space<hbm>> -> memref<4x32xi32, #tpu.memory_space<hbm>>
      tpu.enqueue_dma source(%dma_start3A_101 : memref<4x32xi32, #tpu.memory_space<hbm>>) target(%arg7 : memref<4x32xi32, #tpu.memory_space<vmem>>) target_semaphore(%run_scoped3A : memref<!tpu.dma_semaphore, #tpu.memory_space<semaphore_mem>>)
      %dma_wait3A_102 = arith.constant 0 : i32
      %dma_wait3A_103 = arith.constant 0 : i32
      %dma_wait3A_104 = tpu.memref_slice %arg2[%add3A, %dma_wait3A_102, %dma_wait3A_103] : memref<32x4x32xi32, #tpu.memory_space<hbm>> -> memref<1x4x32xi32, #tpu.memory_space<hbm>>
      %dma_wait3A_105 = tpu.memref_squeeze %dma_wait3A_104 : memref<1x4x32xi32, #tpu.memory_space<hbm>> -> memref<4x32xi32, #tpu.memory_space<hbm>>
      %dma_wait3A_106 = arith.constant 0 : i32
      %dma_wait3A_107 = arith.constant 0 : i32
      %dma_wait3A_108 = tpu.memref_slice %arg2[%add3A, %dma_wait3A_106, %dma_wait3A_107] : memref<32x4x32xi32, #tpu.memory_space<hbm>> -> memref<1x4x32xi32, #tpu.memory_space<hbm>>
      %dma_wait3A_109 = tpu.memref_squeeze %dma_wait3A_108 : memref<1x4x32xi32, #tpu.memory_space<hbm>> -> memref<4x32xi32, #tpu.memory_space<hbm>>
      tpu.wait_dma2 semaphore(%run_scoped3A : memref<!tpu.dma_semaphore, #tpu.memory_space<semaphore_mem>>) src(%dma_wait3A_109 : memref<4x32xi32, #tpu.memory_space<hbm>>) dst(%arg7 : memref<4x32xi32, #tpu.memory_space<vmem>>)
      tpu.yield
    }) : () -> ()
    %dma_start3A = arith.constant 0 : i32
    %dma_start3A_3 = arith.constant 0 : i32
    %dma_start3A_4 = tpu.memref_slice %arg7[%dma_start3A, %dma_start3A_3] : memref<4x32xi32, #tpu.memory_space<vmem>> -> memref<1x32xi32, #tpu.memory_space<vmem>>
    %dma_start3A_5 = tpu.memref_squeeze %dma_start3A_4 : memref<1x32xi32, #tpu.memory_space<vmem>> -> memref<32xi32, #tpu.memory_space<vmem>>
    %dma_start3A_6 = arith.constant 0 : i32
    %dma_start3A_7 = arith.constant 0 : i32
    %dma_start3A_8 = tpu.memref_slice %arg4[%dma_start3A_6, %dma_start3A_7] : memref<160x1024xf32, #tpu.memory_space<hbm>> -> memref<160x1024xf32, #tpu.memory_space<hbm>>
    tpu.enqueue_indirect_dma source(%dma_start3A_8 : memref<160x1024xf32, #tpu.memory_space<hbm>>) target(%arg9 : memref<32x1024xf32, #tpu.memory_space<vmem>>) offsets(%dma_start3A_5 : memref<32xi32, #tpu.memory_space<vmem>>) semaphore(%arg11 : memref<!tpu.dma_semaphore, #tpu.memory_space<semaphore_mem>>)
    %dma_wait3A = arith.constant 0 : i32
    %dma_wait3A_9 = arith.constant 0 : i32
    %dma_wait3A_10 = tpu.memref_slice %arg7[%dma_wait3A, %dma_wait3A_9] : memref<4x32xi32, #tpu.memory_space<vmem>> -> memref<1x32xi32, #tpu.memory_space<vmem>>
    %dma_wait3A_11 = tpu.memref_squeeze %dma_wait3A_10 : memref<1x32xi32, #tpu.memory_space<vmem>> -> memref<32xi32, #tpu.memory_space<vmem>>
    %dma_wait3A_12 = arith.constant 0 : i32
    %dma_wait3A_13 = arith.constant 0 : i32
    %dma_wait3A_14 = tpu.memref_slice %arg4[%dma_wait3A_12, %dma_wait3A_13] : memref<160x1024xf32, #tpu.memory_space<hbm>> -> memref<160x1024xf32, #tpu.memory_space<hbm>>
    tpu.wait_indirect_dma semaphore(%arg11 : memref<!tpu.dma_semaphore, #tpu.memory_space<semaphore_mem>>) src(%dma_wait3A_14 : memref<160x1024xf32, #tpu.memory_space<hbm>>) dst(%arg9 : memref<32x1024xf32, #tpu.memory_space<vmem>>)
    %add3A_15 = arith.constant 0 : i32
    %add3A_16 = arith.addi %mul3A_2, %add3A_15 : i32
    %dma_start3A_17 = arith.constant 0 : i32
    %dma_start3A_18 = tpu.memref_slice %arg5[%add3A_16, %dma_start3A_17] : memref<4096x1024xf32, #tpu.memory_space<hbm>> -> memref<32x1024xf32, #tpu.memory_space<hbm>>
    %dma_start3A_19 = arith.constant 0 : i32
    %dma_start3A_20 = tpu.memref_slice %arg5[%add3A_16, %dma_start3A_19] : memref<4096x1024xf32, #tpu.memory_space<hbm>> -> memref<32x1024xf32, #tpu.memory_space<hbm>>
    tpu.enqueue_dma source(%arg9 : memref<32x1024xf32, #tpu.memory_space<vmem>>) target(%dma_start3A_20 : memref<32x1024xf32, #tpu.memory_space<hbm>>) target_semaphore(%arg12 : memref<!tpu.dma_semaphore, #tpu.memory_space<semaphore_mem>>)
    %dma_start3A_21 = arith.constant 1 : i32
    %dma_start3A_22 = arith.constant 0 : i32
    %dma_start3A_23 = tpu.memref_slice %arg7[%dma_start3A_21, %dma_start3A_22] : memref<4x32xi32, #tpu.memory_space<vmem>> -> memref<1x32xi32, #tpu.memory_space<vmem>>
    %dma_start3A_24 = tpu.memref_squeeze %dma_start3A_23 : memref<1x32xi32, #tpu.memory_space<vmem>> -> memref<32xi32, #tpu.memory_space<vmem>>
    %dma_start3A_25 = arith.constant 0 : i32
    %dma_start3A_26 = arith.constant 0 : i32
    %dma_start3A_27 = tpu.memref_slice %arg4[%dma_start3A_25, %dma_start3A_26] : memref<160x1024xf32, #tpu.memory_space<hbm>> -> memref<160x1024xf32, #tpu.memory_space<hbm>>
    tpu.enqueue_indirect_dma source(%dma_start3A_27 : memref<160x1024xf32, #tpu.memory_space<hbm>>) target(%arg10 : memref<32x1024xf32, #tpu.memory_space<vmem>>) offsets(%dma_start3A_24 : memref<32xi32, #tpu.memory_space<vmem>>) semaphore(%arg11 : memref<!tpu.dma_semaphore, #tpu.memory_space<semaphore_mem>>)
    %dma_wait3A_28 = arith.constant 1 : i32
    %dma_wait3A_29 = arith.constant 0 : i32
    %dma_wait3A_30 = tpu.memref_slice %arg7[%dma_wait3A_28, %dma_wait3A_29] : memref<4x32xi32, #tpu.memory_space<vmem>> -> memref<1x32xi32, #tpu.memory_space<vmem>>
    %dma_wait3A_31 = tpu.memref_squeeze %dma_wait3A_30 : memref<1x32xi32, #tpu.memory_space<vmem>> -> memref<32xi32, #tpu.memory_space<vmem>>
    %dma_wait3A_32 = arith.constant 0 : i32
    %dma_wait3A_33 = arith.constant 0 : i32
    %dma_wait3A_34 = tpu.memref_slice %arg4[%dma_wait3A_32, %dma_wait3A_33] : memref<160x1024xf32, #tpu.memory_space<hbm>> -> memref<160x1024xf32, #tpu.memory_space<hbm>>
    tpu.wait_indirect_dma semaphore(%arg11 : memref<!tpu.dma_semaphore, #tpu.memory_space<semaphore_mem>>) src(%dma_wait3A_34 : memref<160x1024xf32, #tpu.memory_space<hbm>>) dst(%arg10 : memref<32x1024xf32, #tpu.memory_space<vmem>>)
    %add3A_35 = arith.constant 32 : i32
    %add3A_36 = arith.addi %mul3A_2, %add3A_35 : i32
    %dma_start3A_37 = arith.constant 0 : i32
    %dma_start3A_38 = tpu.memref_slice %arg5[%add3A_36, %dma_start3A_37] : memref<4096x1024xf32, #tpu.memory_space<hbm>> -> memref<32x1024xf32, #tpu.memory_space<hbm>>
    %dma_start3A_39 = arith.constant 0 : i32
    %dma_start3A_40 = tpu.memref_slice %arg5[%add3A_36, %dma_start3A_39] : memref<4096x1024xf32, #tpu.memory_space<hbm>> -> memref<32x1024xf32, #tpu.memory_space<hbm>>
    tpu.enqueue_dma source(%arg10 : memref<32x1024xf32, #tpu.memory_space<vmem>>) target(%dma_start3A_40 : memref<32x1024xf32, #tpu.memory_space<hbm>>) target_semaphore(%arg13 : memref<!tpu.dma_semaphore, #tpu.memory_space<semaphore_mem>>)
    %dma_start3A_41 = arith.constant 2 : i32
    %dma_start3A_42 = arith.constant 0 : i32
    %dma_start3A_43 = tpu.memref_slice %arg7[%dma_start3A_41, %dma_start3A_42] : memref<4x32xi32, #tpu.memory_space<vmem>> -> memref<1x32xi32, #tpu.memory_space<vmem>>
    %dma_start3A_44 = tpu.memref_squeeze %dma_start3A_43 : memref<1x32xi32, #tpu.memory_space<vmem>> -> memref<32xi32, #tpu.memory_space<vmem>>
    %dma_start3A_45 = arith.constant 0 : i32
    %dma_start3A_46 = arith.constant 0 : i32
    %dma_start3A_47 = tpu.memref_slice %arg4[%dma_start3A_45, %dma_start3A_46] : memref<160x1024xf32, #tpu.memory_space<hbm>> -> memref<160x1024xf32, #tpu.memory_space<hbm>>
    tpu.enqueue_indirect_dma source(%dma_start3A_47 : memref<160x1024xf32, #tpu.memory_space<hbm>>) target(%arg9 : memref<32x1024xf32, #tpu.memory_space<vmem>>) offsets(%dma_start3A_44 : memref<32xi32, #tpu.memory_space<vmem>>) semaphore(%arg11 : memref<!tpu.dma_semaphore, #tpu.memory_space<semaphore_mem>>)
    %dma_wait3A_48 = arith.constant 2 : i32
    %dma_wait3A_49 = arith.constant 0 : i32
    %dma_wait3A_50 = tpu.memref_slice %arg7[%dma_wait3A_48, %dma_wait3A_49] : memref<4x32xi32, #tpu.memory_space<vmem>> -> memref<1x32xi32, #tpu.memory_space<vmem>>
    %dma_wait3A_51 = tpu.memref_squeeze %dma_wait3A_50 : memref<1x32xi32, #tpu.memory_space<vmem>> -> memref<32xi32, #tpu.memory_space<vmem>>
    %dma_wait3A_52 = arith.constant 0 : i32
    %dma_wait3A_53 = arith.constant 0 : i32
    %dma_wait3A_54 = tpu.memref_slice %arg4[%dma_wait3A_52, %dma_wait3A_53] : memref<160x1024xf32, #tpu.memory_space<hbm>> -> memref<160x1024xf32, #tpu.memory_space<hbm>>
    tpu.wait_indirect_dma semaphore(%arg11 : memref<!tpu.dma_semaphore, #tpu.memory_space<semaphore_mem>>) src(%dma_wait3A_54 : memref<160x1024xf32, #tpu.memory_space<hbm>>) dst(%arg9 : memref<32x1024xf32, #tpu.memory_space<vmem>>)
    %add3A_55 = arith.constant 64 : i32
    %add3A_56 = arith.addi %mul3A_2, %add3A_55 : i32
    %dma_start3A_57 = arith.constant 0 : i32
    %dma_start3A_58 = tpu.memref_slice %arg5[%add3A_56, %dma_start3A_57] : memref<4096x1024xf32, #tpu.memory_space<hbm>> -> memref<32x1024xf32, #tpu.memory_space<hbm>>
    %dma_start3A_59 = arith.constant 0 : i32
    %dma_start3A_60 = tpu.memref_slice %arg5[%add3A_56, %dma_start3A_59] : memref<4096x1024xf32, #tpu.memory_space<hbm>> -> memref<32x1024xf32, #tpu.memory_space<hbm>>
    tpu.enqueue_dma source(%arg9 : memref<32x1024xf32, #tpu.memory_space<vmem>>) target(%dma_start3A_60 : memref<32x1024xf32, #tpu.memory_space<hbm>>) target_semaphore(%arg12 : memref<!tpu.dma_semaphore, #tpu.memory_space<semaphore_mem>>)
    %dma_start3A_61 = arith.constant 3 : i32
    %dma_start3A_62 = arith.constant 0 : i32
    %dma_start3A_63 = tpu.memref_slice %arg7[%dma_start3A_61, %dma_start3A_62] : memref<4x32xi32, #tpu.memory_space<vmem>> -> memref<1x32xi32, #tpu.memory_space<vmem>>
    %dma_start3A_64 = tpu.memref_squeeze %dma_start3A_63 : memref<1x32xi32, #tpu.memory_space<vmem>> -> memref<32xi32, #tpu.memory_space<vmem>>
    %dma_start3A_65 = arith.constant 0 : i32
    %dma_start3A_66 = arith.constant 0 : i32
    %dma_start3A_67 = tpu.memref_slice %arg4[%dma_start3A_65, %dma_start3A_66] : memref<160x1024xf32, #tpu.memory_space<hbm>> -> memref<160x1024xf32, #tpu.memory_space<hbm>>
    tpu.enqueue_indirect_dma source(%dma_start3A_67 : memref<160x1024xf32, #tpu.memory_space<hbm>>) target(%arg10 : memref<32x1024xf32, #tpu.memory_space<vmem>>) offsets(%dma_start3A_64 : memref<32xi32, #tpu.memory_space<vmem>>) semaphore(%arg11 : memref<!tpu.dma_semaphore, #tpu.memory_space<semaphore_mem>>)
    %dma_wait3A_68 = arith.constant 3 : i32
    %dma_wait3A_69 = arith.constant 0 : i32
    %dma_wait3A_70 = tpu.memref_slice %arg7[%dma_wait3A_68, %dma_wait3A_69] : memref<4x32xi32, #tpu.memory_space<vmem>> -> memref<1x32xi32, #tpu.memory_space<vmem>>
    %dma_wait3A_71 = tpu.memref_squeeze %dma_wait3A_70 : memref<1x32xi32, #tpu.memory_space<vmem>> -> memref<32xi32, #tpu.memory_space<vmem>>
    %dma_wait3A_72 = arith.constant 0 : i32
    %dma_wait3A_73 = arith.constant 0 : i32
    %dma_wait3A_74 = tpu.memref_slice %arg4[%dma_wait3A_72, %dma_wait3A_73] : memref<160x1024xf32, #tpu.memory_space<hbm>> -> memref<160x1024xf32, #tpu.memory_space<hbm>>
    tpu.wait_indirect_dma semaphore(%arg11 : memref<!tpu.dma_semaphore, #tpu.memory_space<semaphore_mem>>) src(%dma_wait3A_74 : memref<160x1024xf32, #tpu.memory_space<hbm>>) dst(%arg10 : memref<32x1024xf32, #tpu.memory_space<vmem>>)
    %add3A_75 = arith.constant 96 : i32
    %add3A_76 = arith.addi %mul3A_2, %add3A_75 : i32
    %dma_start3A_77 = arith.constant 0 : i32
    %dma_start3A_78 = tpu.memref_slice %arg5[%add3A_76, %dma_start3A_77] : memref<4096x1024xf32, #tpu.memory_space<hbm>> -> memref<32x1024xf32, #tpu.memory_space<hbm>>
    %dma_start3A_79 = arith.constant 0 : i32
    %dma_start3A_80 = tpu.memref_slice %arg5[%add3A_76, %dma_start3A_79] : memref<4096x1024xf32, #tpu.memory_space<hbm>> -> memref<32x1024xf32, #tpu.memory_space<hbm>>
    tpu.enqueue_dma source(%arg10 : memref<32x1024xf32, #tpu.memory_space<vmem>>) target(%dma_start3A_80 : memref<32x1024xf32, #tpu.memory_space<hbm>>) target_semaphore(%arg13 : memref<!tpu.dma_semaphore, #tpu.memory_space<semaphore_mem>>)
    "tpu.region"() ({
      %run_scoped3A = tpu.sem_alloc : memref<!tpu.dma_semaphore, #tpu.memory_space<semaphore_mem>>
      %dma_start3A_94 = arith.constant 0 : i32
      %dma_start3A_95 = arith.constant 0 : i32
      %dma_start3A_96 = tpu.memref_slice %arg3[%add3A, %dma_start3A_94, %dma_start3A_95] : memref<32x32x32xi32, #tpu.memory_space<hbm>> -> memref<1x32x32xi32, #tpu.memory_space<hbm>>
      %dma_start3A_97 = tpu.memref_squeeze %dma_start3A_96 : memref<1x32x32xi32, #tpu.memory_space<hbm>> -> memref<32x32xi32, #tpu.memory_space<hbm>>
      %dma_start3A_98 = arith.constant 0 : i32
      %dma_start3A_99 = arith.constant 0 : i32
      %dma_start3A_100 = tpu.memref_slice %arg3[%add3A, %dma_start3A_98, %dma_start3A_99] : memref<32x32x32xi32, #tpu.memory_space<hbm>> -> memref<1x32x32xi32, #tpu.memory_space<hbm>>
      %dma_start3A_101 = tpu.memref_squeeze %dma_start3A_100 : memref<1x32x32xi32, #tpu.memory_space<hbm>> -> memref<32x32xi32, #tpu.memory_space<hbm>>
      tpu.enqueue_dma source(%dma_start3A_101 : memref<32x32xi32, #tpu.memory_space<hbm>>) target(%arg8 : memref<32x32xi32, #tpu.memory_space<vmem>>) target_semaphore(%run_scoped3A : memref<!tpu.dma_semaphore, #tpu.memory_space<semaphore_mem>>)
      %dma_wait3A_102 = arith.constant 0 : i32
      %dma_wait3A_103 = arith.constant 0 : i32
      %dma_wait3A_104 = tpu.memref_slice %arg3[%add3A, %dma_wait3A_102, %dma_wait3A_103] : memref<32x32x32xi32, #tpu.memory_space<hbm>> -> memref<1x32x32xi32, #tpu.memory_space<hbm>>
      %dma_wait3A_105 = tpu.memref_squeeze %dma_wait3A_104 : memref<1x32x32xi32, #tpu.memory_space<hbm>> -> memref<32x32xi32, #tpu.memory_space<hbm>>
      %dma_wait3A_106 = arith.constant 0 : i32
      %dma_wait3A_107 = arith.constant 0 : i32
      %dma_wait3A_108 = tpu.memref_slice %arg3[%add3A, %dma_wait3A_106, %dma_wait3A_107] : memref<32x32x32xi32, #tpu.memory_space<hbm>> -> memref<1x32x32xi32, #tpu.memory_space<hbm>>
      %dma_wait3A_109 = tpu.memref_squeeze %dma_wait3A_108 : memref<1x32x32xi32, #tpu.memory_space<hbm>> -> memref<32x32xi32, #tpu.memory_space<hbm>>
      tpu.wait_dma2 semaphore(%run_scoped3A : memref<!tpu.dma_semaphore, #tpu.memory_space<semaphore_mem>>) src(%dma_wait3A_109 : memref<32x32xi32, #tpu.memory_space<hbm>>) dst(%arg8 : memref<32x32xi32, #tpu.memory_space<vmem>>)
      tpu.yield
    }) : () -> ()
    %scan3A = arith.constant 0 : i32
    %scan3A_81 = arith.constant 0 : i32
    %scan3A_82 = arith.constant 32 : i32
    %scan3A_83 = arith.addi %scan3A_81, %scan3A_82 : i32
    %scan3A_84 = arith.constant 1 : i32
    scf.for %scan3A_94 = %scan3A_81 to %scan3A_83 step %scan3A_84  : i32 {
      %get3A = arith.index_cast %scan3A_94 : i32 to index
      %get3A_95 = arith.constant 0 : index
      %get3A_96 = tpu.vector_load %arg8[%get3A, %get3A_95] {strides = array<i32>} : memref<32x32xi32, #tpu.memory_space<vmem>>, vector<1x16xi32>,
      %get3A_97 = vector.shape_cast %get3A_96 : vector<1x16xi32> to vector<16xi32>
      %eq3A = arith.constant 0 : i32
      %eq3A_98 = vector.broadcast %eq3A : i32 to vector<16xi32>
      %eq3A_99 = arith.cmpi eq, %get3A_97, %eq3A_98 : vector<16xi32>
      %jit3A = arith.constant 1 : i32
      %jit3A_100 = arith.constant 0 : i32
      %broadcast_in_dim3A = vector.broadcast %jit3A : i32 to vector<16xi32>
      %broadcast_in_dim3A_101 = vector.broadcast %jit3A_100 : i32 to vector<16xi32>
      %select_n3A = arith.select %eq3A_99, %broadcast_in_dim3A, %broadcast_in_dim3A_101 : vector<16xi1>, vector<16xi32>
      %swap3A = arith.index_cast %scan3A_94 : i32 to index
      %swap3A_102 = arith.constant 0 : index
      %swap3A_103 = tpu.vector_load %arg8[%swap3A, %swap3A_102] {strides = array<i32>} : memref<32x32xi32, #tpu.memory_space<vmem>>, vector<1x16xi32>,
      %swap3A_104 = vector.shape_cast %swap3A_103 : vector<1x16xi32> to vector<16xi32>
      %swap3A_105 = vector.shape_cast %select_n3A : vector<16xi32> to vector<1x16xi32>
      tpu.vector_store %arg8[%swap3A, %swap3A_102], %swap3A_105 {strides = array<i32>} : memref<32x32xi32, #tpu.memory_space<vmem>>, vector<1x16xi32>,
      %get3A_106 = arith.index_cast %scan3A_94 : i32 to index
      %get3A_107 = arith.constant 16 : index
      %get3A_108 = tpu.vector_load %arg8[%get3A_106, %get3A_107] {strides = array<i32>} : memref<32x32xi32, #tpu.memory_space<vmem>>, vector<1x16xi32>,
      %get3A_109 = vector.shape_cast %get3A_108 : vector<1x16xi32> to vector<16xi32>
      %eq3A_110 = arith.constant 0 : i32
      %eq3A_111 = vector.broadcast %eq3A_110 : i32 to vector<16xi32>
      %eq3A_112 = arith.cmpi eq, %get3A_109, %eq3A_111 : vector<16xi32>
      %jit3A_113 = arith.constant 1 : i32
      %jit3A_114 = arith.constant 0 : i32
      %broadcast_in_dim3A_115 = vector.broadcast %jit3A_113 : i32 to vector<16xi32>
      %broadcast_in_dim3A_116 = vector.broadcast %jit3A_114 : i32 to vector<16xi32>
      %select_n3A_117 = arith.select %eq3A_112, %broadcast_in_dim3A_115, %broadcast_in_dim3A_116 : vector<16xi1>, vector<16xi32>
      %swap3A_118 = arith.index_cast %scan3A_94 : i32 to index
      %swap3A_119 = arith.constant 16 : index
      %swap3A_120 = tpu.vector_load %arg8[%swap3A_118, %swap3A_119] {strides = array<i32>} : memref<32x32xi32, #tpu.memory_space<vmem>>, vector<1x16xi32>,
      %swap3A_121 = vector.shape_cast %swap3A_120 : vector<1x16xi32> to vector<16xi32>
      %swap3A_122 = vector.shape_cast %select_n3A_117 : vector<16xi32> to vector<1x16xi32>
      tpu.vector_store %arg8[%swap3A_118, %swap3A_119], %swap3A_122 {strides = array<i32>} : memref<32x32xi32, #tpu.memory_space<vmem>>, vector<1x16xi32>,
    }
    %scan3A_85 = arith.constant 32 : i32
    "tpu.region"() ({
      %run_scoped3A = tpu.sem_alloc : memref<!tpu.dma_semaphore, #tpu.memory_space<semaphore_mem>>
      %dma_start3A_94 = arith.constant 0 : i32
      %dma_start3A_95 = arith.constant 0 : i32
      %dma_start3A_96 = tpu.memref_slice %arg6[%add3A, %dma_start3A_94, %dma_start3A_95] : memref<32x32x32xi32, #tpu.memory_space<hbm>> -> memref<1x32x32xi32, #tpu.memory_space<hbm>>
      %dma_start3A_97 = tpu.memref_squeeze %dma_start3A_96 : memref<1x32x32xi32, #tpu.memory_space<hbm>> -> memref<32x32xi32, #tpu.memory_space<hbm>>
      %dma_start3A_98 = arith.constant 0 : i32
      %dma_start3A_99 = arith.constant 0 : i32
      %dma_start3A_100 = tpu.memref_slice %arg6[%add3A, %dma_start3A_98, %dma_start3A_99] : memref<32x32x32xi32, #tpu.memory_space<hbm>> -> memref<1x32x32xi32, #tpu.memory_space<hbm>>
      %dma_start3A_101 = tpu.memref_squeeze %dma_start3A_100 : memref<1x32x32xi32, #tpu.memory_space<hbm>> -> memref<32x32xi32, #tpu.memory_space<hbm>>
      tpu.enqueue_dma source(%arg8 : memref<32x32xi32, #tpu.memory_space<vmem>>) target(%dma_start3A_101 : memref<32x32xi32, #tpu.memory_space<hbm>>) target_semaphore(%run_scoped3A : memref<!tpu.dma_semaphore, #tpu.memory_space<semaphore_mem>>)
      %dma_wait3A_102 = arith.constant 0 : i32
      %dma_wait3A_103 = arith.constant 0 : i32
      %dma_wait3A_104 = tpu.memref_slice %arg6[%add3A, %dma_wait3A_102, %dma_wait3A_103] : memref<32x32x32xi32, #tpu.memory_space<hbm>> -> memref<1x32x32xi32, #tpu.memory_space<hbm>>
      %dma_wait3A_105 = tpu.memref_squeeze %dma_wait3A_104 : memref<1x32x32xi32, #tpu.memory_space<hbm>> -> memref<32x32xi32, #tpu.memory_space<hbm>>
      %dma_wait3A_106 = arith.constant 0 : i32
      %dma_wait3A_107 = arith.constant 0 : i32
      %dma_wait3A_108 = tpu.memref_slice %arg6[%add3A, %dma_wait3A_106, %dma_wait3A_107] : memref<32x32x32xi32, #tpu.memory_space<hbm>> -> memref<1x32x32xi32, #tpu.memory_space<hbm>>
      %dma_wait3A_109 = tpu.memref_squeeze %dma_wait3A_108 : memref<1x32x32xi32, #tpu.memory_space<hbm>> -> memref<32x32xi32, #tpu.memory_space<hbm>>
      tpu.wait_dma2 semaphore(%run_scoped3A : memref<!tpu.dma_semaphore, #tpu.memory_space<semaphore_mem>>) src(%arg8 : memref<32x32xi32, #tpu.memory_space<vmem>>) dst(%dma_wait3A_109 : memref<32x32xi32, #tpu.memory_space<hbm>>)
      tpu.yield
    }) : () -> ()
    %dma_wait3A_86 = arith.constant 0 : i32
    %dma_wait3A_87 = tpu.memref_slice %arg5[%mul3A_2, %dma_wait3A_86] : memref<4096x1024xf32, #tpu.memory_space<hbm>> -> memref<32x1024xf32, #tpu.memory_space<hbm>>
    %dma_wait3A_88 = arith.constant 0 : i32
    %dma_wait3A_89 = tpu.memref_slice %arg5[%mul3A_2, %dma_wait3A_88] : memref<4096x1024xf32, #tpu.memory_space<hbm>> -> memref<32x1024xf32, #tpu.memory_space<hbm>>
    tpu.wait_dma2 semaphore(%arg12 : memref<!tpu.dma_semaphore, #tpu.memory_space<semaphore_mem>>) src(%arg9 : memref<32x1024xf32, #tpu.memory_space<vmem>>) dst(%dma_wait3A_89 : memref<32x1024xf32, #tpu.memory_space<hbm>>)
    %dma_wait3A_90 = arith.constant 0 : i32
    %dma_wait3A_91 = tpu.memref_slice %arg5[%mul3A_2, %dma_wait3A_90] : memref<4096x1024xf32, #tpu.memory_space<hbm>> -> memref<32x1024xf32, #tpu.memory_space<hbm>>
    %dma_wait3A_92 = arith.constant 0 : i32
    %dma_wait3A_93 = tpu.memref_slice %arg5[%mul3A_2, %dma_wait3A_92] : memref<4096x1024xf32, #tpu.memory_space<hbm>> -> memref<32x1024xf32, #tpu.memory_space<hbm>>
    tpu.wait_dma2 semaphore(%arg13 : memref<!tpu.dma_semaphore, #tpu.memory_space<semaphore_mem>>) src(%arg10 : memref<32x1024xf32, #tpu.memory_space<vmem>>) dst(%dma_wait3A_93 : memref<32x1024xf32, #tpu.memory_space<hbm>>)
    return
  }
}

module attributes {stable_mosaic.version = 14 : i64} {
  func.func @_tc_body(%arg0: i32, %arg1: memref<1x1x2048xi32, #tpu.memory_space<vmem>>, %arg2: memref<160x1024xf32, #tpu.memory_space<vmem>>, %arg3: memref<2048x1024xf32, #tpu.memory_space<vmem>>) attributes {dimension_semantics = [#tpu.dimension_semantics<arbitrary>], iteration_bounds = array<i64: 14>, scalar_prefetch = 0 : i64, scratch_operands = 0 : i64, tpu.core_type = #tpu.core_type<tc>, window_params = [{transform_indices = @transform_0, window_bounds = array<i64: 1, 1, 2048>}, {pipeline_mode = #tpu.pipeline_mode<synchronous>, transform_indices = @transform_1, window_bounds = array<i64: 160, 1024>}, {transform_indices = @transform_2, window_bounds = array<i64: 2048, 1024>}]} {
    %get3A = arith.constant 0 : index
    %get3A_0 = arith.constant 0 : index
    %get3A_1 = arith.constant 0 : index
    %get3A_2 = vector.load %arg1[%get3A, %get3A_0, %get3A_1] : memref<1x1x2048xi32, #tpu.memory_space<vmem>>, vector<1x1x2048xi32>
    %get3A_3 = vector.shape_cast %get3A_2 : vector<1x1x2048xi32> to vector<2048xi32>
    %iota3A = tpu.iota {dimensions = array<i32: 1>} : vector<1x160xi32>
    %broadcast_in_dim3A = vector.shape_cast %get3A_3 : vector<2048xi32> to vector<2048x1xi32>
    %eq3A = vector.broadcast %broadcast_in_dim3A : vector<2048x1xi32> to vector<2048x160xi32>
    %eq3A_4 = vector.broadcast %iota3A : vector<1x160xi32> to vector<2048x160xi32>
    %eq3A_5 = arith.cmpi eq, %eq3A, %eq3A_4 : vector<2048x160xi32>
    %convert_element_type3A = arith.extui %eq3A_5 : vector<2048x160xi1> to vector<2048x160xi32>
    %convert_element_type3A_6 = arith.sitofp %convert_element_type3A : vector<2048x160xi32> to vector<2048x160xf32>
    %get3A_7 = arith.constant 0 : index
    %get3A_8 = arith.constant 0 : index
    %get3A_9 = vector.load %arg2[%get3A_7, %get3A_8] : memref<160x1024xf32, #tpu.memory_space<vmem>>, vector<160x1024xf32>
    %dot_general3A = arith.constant dense<0.000000e+00> : vector<2048x1024xf32>
    %dot_general3A_10 = tpu.matmul %convert_element_type3A_6, %get3A_9, %dot_general3A {dimension_numbers = #tpu.dot_dimension_numbers<[1], [0], [0], [1], [0, 0, 1, 1], [], []>, transpose_lhs_hint = false} : vector<2048x160xf32>, vector<160x1024xf32>, vector<2048x1024xf32> -> vector<2048x1024xf32>
    %swap3A = arith.constant 0 : index
    %swap3A_11 = arith.constant 0 : index
    %swap3A_12 = vector.load %arg3[%swap3A, %swap3A_11] : memref<2048x1024xf32, #tpu.memory_space<vmem>>, vector<2048x1024xf32>
    tpu.vector_store %arg3[%swap3A, %swap3A_11], %dot_general3A_10 {strides = array<i32>} : memref<2048x1024xf32, #tpu.memory_space<vmem>>, vector<2048x1024xf32>,
    return
  }
  func.func @transform_0(%arg0: i32) -> (i32, i32, i32) {
    %c0_i32 = arith.constant 0 : i32
    %c0_i32_0 = arith.constant 0 : i32
    %c0_i32_1 = arith.constant 0 : i32
    return %arg0, %c0_i32, %c0_i32_0 : i32, i32, i32
  }
  func.func @transform_1(%arg0: i32) -> (i32, i32) {
    %c0_i32 = arith.constant 0 : i32
    %c0_i32_0 = arith.constant 0 : i32
    %c0_i32_1 = arith.constant 0 : i32
    return %c0_i32, %c0_i32_0 : i32, i32
  }
  func.func @transform_2(%arg0: i32) -> (i32, i32) {
    %add3A = arith.constant 2 : i32
    %add3A_0 = arith.addi %arg0, %add3A : i32
    %c0_i32 = arith.constant 0 : i32
    %c0_i32_1 = arith.constant 0 : i32
    return %add3A_0, %c0_i32 : i32, i32
  }
}

</mosaic_0001>

<sc_bundles>
// kernel: kernel.4.cloned.1.call-start
scs
__scs_entry_jumppad:
0x0: {  	(pc) =	sbr.rel $0x88, $3  }
0x1: {  	(tag) =	ssettag $0x0;
	lr =	simm.s32 $0x1  }
0x2: {  	[smem:$0x3F9F] =	sst lr;
	_ =	strace $0xD0000000  }
0x3: {  	_ = 	snop  }
0x4: {  	_ = 	snop  }
0x5: {  	_ = 	snop  }
0x6: {  	_ = 	snop  }
0x7: {  	_ = 	snop  }
__scs_overlays_trampoline_lowered:
0x8: {  	[smem:$0x3FAE] =	sst s0  }
0x9: {  	[smem:$0x3FAF] =	sst s1  }
0xa: {  	[smem:$0x3FB0] =	sst s2  }
0xb: {  	[smem:$0x3FB1] =	sst s3  }
0xc: {  	[smem:$0x3FB2] =	sst s4  }
0xd: {  	[smem:$0x3FB3] =	sst s5  }
0xe: {  	[smem:$0x3FB4] =	sst s6  }
0xf: {  	[smem:$0x3FB5] =	sst s7  }
0x10: {  	[smem:$0x3FB6] =	sst s8  }
0x11: {  	[smem:$0x3FB7] =	sst s9;
	s0 =	simm.s32 @!p0 $0x0  }
0x12: {  	s1 =	sld [smem:$0x3F9D];
	s0 =	simm.s32 @p0 $0x1  }
0x13: {  	[smem:$0x3FB8] =	sst s0;
	s0 =	simm.s32 @!p1 $0x0  }
0x14: {  	s2 =	sld [smem:$0x3F9C];
	s0 =	simm.s32 @p1 $0x1  }
0x15: {  	[smem:$0x3FB9] =	sst s0;
	s0 =	simm.s32 @!p2 $0x0  }
0x16: {  	s3 =	sld [smem:$0x3FDB];
	s0 =	simm.s32 @p2 $0x1  }
0x17: {  	s4 =	simm.s32 $0x1BF5;
	[smem:$0x3FBB] =	sst s0  }
0x18: {  	s0 =	sld [smem:$0x3F9E];
	_ =	swait.ge [sflag:s4], $0x0  }
0x19: {  	s7 =	sld [smem:$0x3F9F]  }
0x1a: {  	s8 =	sadd.s32 $0xFFFFE003, lr  }
0x1b: {  	s9 =	sadd.s32 $0xFFFFFEF7, lr;
	s5 =	simm.s32 $0xFFFFFFFF;
	p2 =	slt.u32 s8, $0xFFFFF086  }
0x1c: {  	p1 =	slt.u32 s9, $0xF7A;
	s5 =	simm.s32 @!p2 $0x0  }
0x1d: {  	s5 =	simm.s32 @p1 $0x1;
	p0 =	seq.s32 s7, s2  }
0x1e: {  	s7 =	smul.u32 @!p0 $0xF7A, s2;
	p2 =	seq.s32 @!p0 s5, $0x0  }
0x1f: {  	s9 =	smul.u32 $0xF7A, s1;
	s8 =	simm.s32 @!p0 $0x1BF5;
	p2 =	por !p2, p0  }
0x20: {  	[sflag:s8] =	ssyncset.s32 @!p0 $0xFFFFF086;
	s6 =	sadd.s32 @!p0 s3, s7;
	s7 =	simm.s32 @!p0 $0x108  }
0x21: {  	s3 =	sadd.s32 s3, s9;
	s6 =	sadd.s32 @!p0 $0x88, s6;
	s7 =	simm.s32 @p2 $0x1082  }
0x22: {  	[simem:s7], [sflag:s8] =	dma.local @!p0 [hbm:s6], $0xF7A  }
0x23: {  	s9 =	sor.u32 $0xD0000000, s2;
	s6 =	simm.s32 $0x108;
	_ =	swait.ge @!p0 [sflag:s8], $0x0  }
0x24: {  	s3 =	sadd.s32 $0x88, s3;
	s6 =	simm.s32 @!p1 $0x1082;
	[sflag:s4] =	ssyncset.s32 $0xFFFFF086  }
0x25: {  	[simem:s6], [sflag:s4] =	dma.local [hbm:s3], $0xF7A  }
0x26: {  	[smem:$0x3F9F] =	sst s1;
	(tag) =	ssettag s2;
	_ =	strace s9  }
0x27: {  	s1 =	sld [smem:$0x3FAF]  }
0x28: {  	s2 =	sld [smem:$0x3FB0]  }
0x29: {  	s4 =	sld [smem:$0x3FB2]  }
0x2a: {  	p0 =	seq.s32 s5, $0x0;
	s5 =	sld [smem:$0x3FB3]  }
0x2b: {  	s6 =	sld [smem:$0x3FB4]  }
0x2c: {  	s7 =	sld [smem:$0x3FB5]  }
0x2d: {  	s3 =	simm.s32 $0x108;
	s8 =	sld [smem:$0x3FB6]  }
0x2e: {  	s3 =	simm.s32 @!p0 $0x1082;
	s9 =	sld [smem:$0x3FB7]  }
0x2f: {  	lr =	sadd.s32 s0, s3;
	s0 =	sld [smem:$0x3FAE]  }
0x30: {  	s3 =	sld [smem:$0x3FB1]  }
0x31: {  	[smem:$0x3FBA] =	sst s10  }
0x32: {  	s10 =	sld [smem:$0x3FB8];
	_ =	sdelay $0x3  }
0x33: {  	p0 =	seq.s32 s10, $0x1;
	s10 =	sld [smem:$0x3FBA];
	_ =	sdelay $0x3  }
0x34: {  	[smem:$0x3FBA] =	sst s10  }
0x35: {  	s10 =	sld [smem:$0x3FB9];
	_ =	sdelay $0x3  }
0x36: {  	p1 =	seq.s32 s10, $0x1;
	s10 =	sld [smem:$0x3FBA];
	_ =	sdelay $0x3  }
0x37: {  	[smem:$0x3FBA] =	sst s10  }
0x38: {  	s10 =	sld [smem:$0x3FBB]  }
0x39: {  	_ = 	snop;
	(pc) =	sbr.ind lr, $3  }
0x3a: {  	_ = 	snop  }
0x3b: {  	_ = 	snop  }
0x3c: {  	p2 =	seq.s32 s10, $0x1;
	s10 =	sld [smem:$0x3FBA]  }
0x3d: {  	_ =	shalt  }
0x3e: {  	_ =	shalt  }
0x3f: {  	_ =	shalt  }
0x40: {  	_ =	shalt  }
0x41: {  	_ =	shalt  }
0x42: {  	_ =	shalt  }
0x43: {  	_ =	shalt  }
0x44: {  	_ =	shalt  }
0x45: {  	_ =	shalt  }
0x46: {  	_ =	shalt  }
0x47: {  	_ =	shalt  }
0x48: {  	_ =	shalt  }
0x49: {  	_ =	shalt  }
0x4a: {  	_ =	shalt  }
0x4b: {  	_ =	shalt  }
0x4c: {  	_ =	shalt  }
0x4d: {  	_ =	shalt  }
0x4e: {  	_ =	shalt  }
0x4f: {  	_ =	shalt  }
0x50: {  	_ =	shalt  }
0x51: {  	_ =	shalt  }
0x52: {  	_ =	shalt  }
0x53: {  	_ =	shalt  }
0x54: {  	_ =	shalt  }
0x55: {  	_ =	shalt  }
0x56: {  	_ =	shalt  }
0x57: {  	_ =	shalt  }
0x58: {  	_ =	shalt  }
0x59: {  	_ =	shalt  }
0x5a: {  	_ =	shalt  }
0x5b: {  	_ =	shalt  }
0x5c: {  	_ =	shalt  }
0x5d: {  	_ =	shalt  }
0x5e: {  	_ =	shalt  }
0x5f: {  	_ =	shalt  }
0x60: {  	_ =	shalt  }
0x61: {  	_ =	shalt  }
0x62: {  	_ =	shalt  }
0x63: {  	_ =	shalt  }
0x64: {  	_ =	shalt  }
0x65: {  	_ =	shalt  }
0x66: {  	_ =	shalt  }
0x67: {  	_ =	shalt  }
0x68: {  	_ =	shalt  }
0x69: {  	_ =	shalt  }
0x6a: {  	_ =	shalt  }
0x6b: {  	_ =	shalt  }
0x6c: {  	_ =	shalt  }
0x6d: {  	_ =	shalt  }
0x6e: {  	_ =	shalt  }
0x6f: {  	_ =	shalt  }
0x70: {  	_ =	shalt  }
0x71: {  	_ =	shalt  }
0x72: {  	_ =	shalt  }
0x73: {  	_ =	shalt  }
0x74: {  	_ =	shalt  }
0x75: {  	_ =	shalt  }
0x76: {  	_ =	shalt  }
0x77: {  	_ =	shalt  }
0x78: {  	_ =	shalt  }
0x79: {  	_ =	shalt  }
0x7a: {  	_ =	shalt  }
0x7b: {  	_ =	shalt  }
0x7c: {  	_ =	shalt  }
0x7d: {  	_ =	shalt  }
0x7e: {  	_ =	shalt  }
0x7f: {  	_ =	shalt  }
0x80: {  	_ =	shalt  }
0x81: {  	_ =	shalt  }
0x82: {  	_ =	shalt  }
0x83: {  	_ =	shalt  }
0x84: {  	_ =	shalt  }
0x85: {  	_ =	shalt  }
0x86: {  	_ =	shalt  }
0x87: {  	_ =	shalt  }
.Lfunc_end0:
.L_simem_size_0:
called_computation_lowered:
.L_overlay_start_0:
0x88: {  	s2 =	sld [smem:$0x3FD9]  }
0x89: {  	s3 =	sld [smem:$0x3FFE];
	_ =	sdelay $0x1  }
0x8a: {  	s1 =	srdreg.scid  }
0x8b: {  	s0 =	sand.u32 $0x1, s1  }
0x8c: {  	s14 =	sshll.u32 s0, $0xA;
	s2 =	sadd.s32 s3, s2  }
0x8d: {  	s2 =	sadd.s32 s2, s14  }
0x8e: {  	[smem:$0x3FC6] =	sst s2  }
0x8f: {  	_ = 	snop  }
0x90: {  	s2 =	sld [smem:$0x3FD0];
	_ =	sdelay $0x2  }
0x91: {  	s4 =	simm.s32 $0xA;
	s5 =	simm.s32 $0x10;
	s15 =	sld [smem:$0x3FC8]  }
0x92: {  	[smem:s5], [sflag:s4] =	dma.local [hbm:s2], $0x1  }
0x93: {  	_ =	swait.eq [sflag:s4], $0x1  }
0x94: {  	[sflag:s4] =	ssyncset.done $0x0  }
0x95: {  	[sflag:s4] =	ssyncadd.s32 $0xFFFFFFFF  }
0x96: {  	s16 =	sld [smem:$0x12];
	(tm) =	ssettm $0x1  }
0x97: {  	s17 =	sld [smem:$0x3FFB];
	_ =	sdelay $0x3  }
0x98: {  	_ =	strace s17  }
0x99: {  	s4 =	sld [smem:$0x3FFC];
	_ =	sdelay $0x3  }
0x9a: {  	_ =	strace s4  }
0x9b: {  	s4 =	sld [smem:$0x3FFD];
	_ =	sdelay $0x3  }
0x9c: {  	_ =	strace s4  }
0x9d: {  	_ =	strace $0x8FFFFFFF  }
0x9e: {  	s18 =	sld [smem:$0x3FDB];
	_ =	sdelay $0x1  }
0x9f: {  	s19 =	simm.s32 $_scs_section_size  }
0xa0: {  	s6 =	simm.s32 $_size__tile_overlayer_lowered;
	s7 =	simm.s32 $_tile_overlayer_lowered  }
0xa1: {  	s22 =	simm.s32 $0x1BFF;
	s21 =	sshll.u32 s7, $0x1;
	s4 =	sadd.s32 s19, s18  }
0xa2: {  	s8 =	simm.s32 $0x0;
	s20 =	sshll.u32 s6, $0x1;
	s6 =	sadd.s32 s21, s4  }
0xa3: {  	[timem:s8], [sflag:s22] =	dma.local [hbm:s6], s20  }
0xa4: {  	_ =	swait.ge [sflag:s22], s20  }
0xa5: {  	s5 =	ssub.s32 $0x0, s20;
	[sflag:s22] =	ssyncset.done $0x0  }
0xa6: {  	[sflag:s22] =	ssyncadd.s32 s5;
	_ =	sdelay $0x1  }
0xa7: {  	s23 =	simm.s32 $0x1B8B  }
0xa8: {  	_ =	swait.ge [sflag:s23], $0x1  }
0xa9: {  	[sflag:s23] =	ssyncset.done $0x0  }
0xaa: {  	s25 =	simm.s32 $0x1B8E;
	s24 =	sld [smem:$0x3FFE];
	[sflag:s23] =	ssyncadd.s32 $0xFFFFFFFF  }
0xab: {  	s26 =	simm.s32 $execute0_lowered;
	[smem:$0x3FD2] =	sst s25  }
0xac: {  	s6 =	sshll.u32 s26, $0x1;
	_ =	strace $0x80000046;
	[dreg:$0x1] =	wrdreg $0xFFFFFFFF  }
0xad: {  	s28 =	simm.s32 $_size_execute0_lowered;
	s4 =	sadd.s32 s4, s6;
	[dreg:$0x0] =	wrdreg $0x0  }
0xae: {  	s6 =	sshll.u32 s28, $0x1;
	[dreg:$0x2] =	wrdreg s4  }
0xaf: {  	[dreg:$0x3] =	wrdreg s6  }
0xb0: {  	[dreg:$0x4] =	wrdreg $0xC0  }
0xb1: {  	_ =	task [dreg:s8], $0x5FFFF  }
0xb2: {  	[dreg:$0x1] =	wrdreg $0xFFFFFFFF  }
0xb3: {  	[dreg:$0x0] =	wrdreg $0x60  }
0xb4: {  	[dreg:$0x2] =	wrdreg s16  }
0xb5: {  	[dreg:$0x3] =	wrdreg s24  }
0xb6: {  	[dreg:$0x4] =	wrdreg s15  }
0xb7: {  	[dreg:$0x5] =	wrdreg $0x9  }
0xb8: {  	_ =	task.clear_ibuf [dreg:s8], $0x6FFFF;
	_ =	strace $0x90000046  }
0xb9: {  	s29 =	simm.s32 $0x9;
	_ =	strace $0x80000048  }
0xba: {  	_ =	swait.ge [sflag:s29], $0x1  }
0xbb: {  	[sflag:s29] =	ssyncadd.s32 $0xFFFFFFFF  }
0xbc: {  	_ =	strace $0x90000048  }
0xbd: {  	_ =	sfence  }
0xbe: {  	s30 =	sld [smem:$0x0];
	_ =	sdelay $0x2  }
0xbf: {  	s31 =	sshll.u32 s1, $0xD;
	s1 =	sshrl.u32 s1, $0x2  }
0xc0: {  	s3 =	sand.u32 $0x4000, s31;
	s1 =	sadd.s32 s1, s30  }
0xc1: {  	s0 =	sor.u32 s3, s0;
	s1 =	sshll.u32 s1, $0x11  }
0xc2: {  	s0 =	sor.u32 s1, s0  }
0xc3: {  	s0 =	sadd.s32 $0x8F2B, s0  }
0xc4: {  	[sflag:s0] =	ssyncadd.remote.s32 $0x1  }
0xc5: {  	_ =	sfence.sel $0xFFFF  }
0xc6: {  	[dreg:$0x0] =	wrdreg $0xFFFFFFFF;
	(pc) =	sbr.abs _section_cstart, $3  }
0xc7: {  	[dreg:$0x1] =	wrdreg $0xFFFFFFFF  }
0xc8: {  	_ =	task.clear_ibuf [dreg:s8], $0x2FFFF;
	_ =	strace $0x9FFFFFFF  }
0xc9: {  	(tm) =	ssettm $0x7FFFFFFF  }
tec
execute0_lowered:
.L_overlay_start_1:
0x0: {  	(tag) =	ssettag $0x1  }
0x1: {  	s0 =	rddreg [dreg:$0x0]  }
0x2: {  	s1 =	rddreg [dreg:$0x1];
	s3 =	srdreg.scid  }
0x3: {  	s5 =	stileid.u32;
	s2 =	rddreg [dreg:$0x2];
	s15 =	simm.s32 $0x4  }
0x4: {  	s29 =	simm.s32 $0x0;
	s9 =	simm.s32 $0x3200;
	s10 =	simm.s32 $0x3A00  }
0x5: {  	s11 =	simm.s32 $0x4200;
	s12 =	simm.s32 $0x4A00;
	s17 =	simm.s32 $0x5200  }
0x6: {  	s13 =	simm.s32 $0x5A00;
	s18 =	simm.s32 $0x6200;
	s14 =	simm.s32 $0x6A00  }
0x7: {  	s19 =	simm.s32 $0x7200;
	s20 =	simm.s32 $0x7A00;
	s28 =	simm.s32 $0xBA00  }
0x8: {  	s4 =	sand.u32 $0x1, s3;
	s5 =	sshll.u32 s5, $0x1;
	s3 =	simm.s32 $0x0  }
0x9: {  	s16 =	simm.s32 $0xC200;
	s5 =	sor.u32 s4, s5;
	[smem:$0x7FF] =	sst s3  }
0xa: {  	s4 =	ssub.s32 $0x2, s4;
	s6 =	sshll.u32 s5, $0xE;
	_ =	strace $0x80000047  }
0xb: {  	s21 =	sshll.u32 s5, $0x9;
	s7 =	sshrl.u32 s4, $0x1;
	s5 =	sshll.u32 s5, $0x6  }
0xc: {  	s8 =	sadd.s32 s6, s1;
	s1 =	sadd.s32 s21, s1;
	s0 =	sadd.s32 s0, s5  }
0xd: {  	s4 =	ssub.s32 s4, s7;
	[dreg:$0x4] =	wrdreg s0;
	s22 =	sadd.s32 $0x8800, s8  }
0xe: {  	s5 =	sadd.s32 $0x100, s2;
	s23 =	sadd.s32 $0x9800, s8;
	[dreg:$0x5] =	wrdreg s22  }
0xf: {  	s6 =	sadd.s32 $0x200, s2;
	s24 =	sadd.s32 $0xA800, s8;
	[dreg:$0x6] =	wrdreg s23  }
0x10: {  	s7 =	sadd.s32 $0x300, s2;
	s25 =	sadd.s32 $0xB800, s8;
	[dreg:$0x7] =	wrdreg s24  }
0x11: {  	s21 =	simm.s32 $0x8200;
	s26 =	sadd.s32 $0x800, s1;
	[dreg:$0x8] =	wrdreg s25  }
0x12: {  	s30 =	sadd.s32 $0x4800, s1;
	s31 =	smax.u32 s4, $0x1;
	[dreg:$0x9] =	wrdreg s26  }
0x13: {  	v2 =	vlaneseq.u32;
	s0 =	simm.s32 $0x1;
	s8 =	simm.s32 $0x9200;
	[dreg:$0xa] =	wrdreg s30  }
0x14: {  	vm0 =	vmmov $0xffff;
	v3 =	vimm.s32 $0x0;
	v1 =	vshrl.u32 v2, $0x3;
	[dreg:$0xb] =	wrdreg s31;
	s22 =	simm.s32 $0x8A00;
	s23 =	simm.s32 $0x9A00  }
0x15: {  	v0 =	vand.u32 $0x7, v2;
	v2 =	vor.u32 $0x8, v2;
	v1 =	vmul.u32 $0x8, v1;
	s24 =	simm.s32 $0xA200;
	s25 =	simm.s32 $0xAA00;
	s26 =	simm.s32 $0xB200  }
.LBB2_1:
0x16: {  	s1 =	rddreg [dreg:$0x4]  }
0x17: {  	[tilespmem:s3], [sflag:$0x4] =	stream.linear.gather [hbm4b:s1+s3], $0x200, $0x38;
	[tilespmem:$0x11200] =	vst v63  }
0x18: {  	_ =	swait.ge [sflag:s15], $0x200  }
0x19: {  	[sflag:s15] =	ssyncset.done $0x0  }
0x1a: {  	[sflag:s15] =	ssyncadd.s32 $0xFFFFFE00  }
0x1b: {  	v4 =	vld [tilespmem:$0x0];
	_ =	sdelay $0x4  }
0x1c: {  	v5 =	vshll.u32 v4, $0x3  }
0x1d: {  	v4 =	vand.u32 $0x7, v4;
	v5 =	vand.u32 $0xFFFFFFC0, v5  }
0x1e: {  	v4 =	vor.u32 v4, v5  }
0x1f: {  	v5 =	vperm.xlane v4, v0;
	_ =	sdelay $0x1  }
0x20: {  	v5 =	vadd.s32 v1, v5;
	_ =	sdelay $0x3  }
0x21: {  	s4 =	simm.s32 $0x1200  }
0x22: {  	[tilespmem:s4], [sflag:$0x1] =	stream.indirect_vreg.gather [hbm4b:s2+s3], $0x80, v5, vm0, $0xb8;
	[tilespmem:$0x11200] =	vst v63  }
0x23: {  	s30 =	simm.s32 $0x1A00;
	v4 =	vperm.xlane v4, v2  }
0x24: {  	[tilespmem:s30], [sflag:$0x1] =	stream.indirect_vreg.gather [hbm4b:s5+s3], $0x80, v5, vm0, $0xb8;
	[tilespmem:$0x11200] =	vst v63  }
0x25: {  	s31 =	simm.s32 $0x2200;
	v4 =	vadd.s32 v1, v4  }
0x26: {  	[tilespmem:s31], [sflag:$0x1] =	stream.indirect_vreg.gather [hbm4b:s6+s3], $0x80, v5, vm0, $0xb8;
	[tilespmem:$0x11200] =	vst v63  }
0x27: {  	s1 =	simm.s32 $0x2A00  }
0x28: {  	[tilespmem:s1], [sflag:$0x1] =	stream.indirect_vreg.gather [hbm4b:s7+s3], $0x80, v5, vm0, $0xb8;
	[tilespmem:$0x11200] =	vst v63  }
0x29: {  	_ = 	snop  }
0x2a: {  	[tilespmem:s9], [sflag:$0x1] =	stream.indirect_vreg.gather [hbm4b:s2+s3], $0x80, v4, vm0, $0xb8;
	[tilespmem:$0x11200] =	vst v63  }
0x2b: {  	_ = 	snop  }
0x2c: {  	[tilespmem:s10], [sflag:$0x1] =	stream.indirect_vreg.gather [hbm4b:s5+s3], $0x80, v4, vm0, $0xb8;
	[tilespmem:$0x11200] =	vst v63  }
0x2d: {  	_ = 	snop  }
0x2e: {  	[tilespmem:s11], [sflag:$0x1] =	stream.indirect_vreg.gather [hbm4b:s6+s3], $0x80, v4, vm0, $0xb8;
	[tilespmem:$0x11200] =	vst v63  }
0x2f: {  	_ = 	snop  }
0x30: {  	[tilespmem:s12], [sflag:$0x1] =	stream.indirect_vreg.gather [hbm4b:s7+s3], $0x80, v4, vm0, $0xb8;
	[tilespmem:$0x11200] =	vst v63  }
0x31: {  	v4 =	vld [tilespmem:$0x10];
	_ =	sdelay $0x4  }
0x32: {  	v5 =	vshll.u32 v4, $0x3  }
0x33: {  	v4 =	vand.u32 $0x7, v4;
	v5 =	vand.u32 $0xFFFFFFC0, v5  }
0x34: {  	v4 =	vor.u32 v4, v5  }
0x35: {  	v5 =	vperm.xlane v4, v0;
	_ =	sdelay $0x1  }
0x36: {  	v5 =	vadd.s32 v1, v5;
	_ =	sdelay $0x4  }
0x37: {  	[tilespmem:s17], [sflag:$0x1] =	stream.indirect_vreg.gather [hbm4b:s2+s3], $0x80, v5, vm0, $0xb8;
	[tilespmem:$0x11200] =	vst v63  }
0x38: {  	v4 =	vperm.xlane v4, v2  }
0x39: {  	[tilespmem:s13], [sflag:$0x1] =	stream.indirect_vreg.gather [hbm4b:s5+s3], $0x80, v5, vm0, $0xb8;
	[tilespmem:$0x11200] =	vst v63  }
0x3a: {  	v4 =	vadd.s32 v1, v4  }
0x3b: {  	[tilespmem:s18], [sflag:$0x1] =	stream.indirect_vreg.gather [hbm4b:s6+s3], $0x80, v5, vm0, $0xb8;
	[tilespmem:$0x11200] =	vst v63  }
0x3c: {  	_ = 	snop  }
0x3d: {  	[tilespmem:s14], [sflag:$0x1] =	stream.indirect_vreg.gather [hbm4b:s7+s3], $0x80, v5, vm0, $0xb8;
	[tilespmem:$0x11200] =	vst v63  }
0x3e: {  	_ = 	snop  }
0x3f: {  	[tilespmem:s19], [sflag:$0x1] =	stream.indirect_vreg.gather [hbm4b:s2+s3], $0x80, v4, vm0, $0xb8;
	[tilespmem:$0x11200] =	vst v63  }
0x40: {  	_ = 	snop  }
0x41: {  	[tilespmem:s20], [sflag:$0x1] =	stream.indirect_vreg.gather [hbm4b:s5+s3], $0x80, v4, vm0, $0xb8;
	[tilespmem:$0x11200] =	vst v63  }
0x42: {  	_ = 	snop  }
0x43: {  	[tilespmem:s21], [sflag:$0x1] =	stream.indirect_vreg.gather [hbm4b:s6+s3], $0x80, v4, vm0, $0xb8;
	[tilespmem:$0x11200] =	vst v63  }
0x44: {  	_ = 	snop  }
0x45: {  	[tilespmem:s22], [sflag:$0x1] =	stream.indirect_vreg.gather [hbm4b:s7+s3], $0x80, v4, vm0, $0xb8;
	[tilespmem:$0x11200] =	vst v63  }
0x46: {  	_ =	swait.ge [sflag:s0], $0x8000  }
0x47: {  	[sflag:s0] =	ssyncset.done $0x0  }
0x48: {  	s1 =	rddreg [dreg:$0x5];
	[sflag:s0] =	ssyncadd.s32 $0xFFFF8000  }
0x49: {  	[hbm4b:s1+s3] =	stream.linear.scatter [tilespmem:s4], [sflag:$0x2], $0x8000, $0x38;
	[tilespmem:$0x11200] =	vst v63  }
0x4a: {  	v4 =	vld [tilespmem:$0x80];
	_ =	sdelay $0x4  }
0x4b: {  	v5 =	vshll.u32 v4, $0x3  }
0x4c: {  	v4 =	vand.u32 $0x7, v4;
	v5 =	vand.u32 $0xFFFFFFC0, v5  }
0x4d: {  	v4 =	vor.u32 v4, v5  }
0x4e: {  	v5 =	vperm.xlane v4, v0;
	_ =	sdelay $0x1  }
0x4f: {  	v5 =	vadd.s32 v1, v5;
	_ =	sdelay $0x4  }
0x50: {  	[tilespmem:s8], [sflag:$0x1] =	stream.indirect_vreg.gather [hbm4b:s2+s3], $0x80, v5, vm0, $0xb8;
	[tilespmem:$0x11200] =	vst v63  }
0x51: {  	v4 =	vperm.xlane v4, v2  }
0x52: {  	[tilespmem:s23], [sflag:$0x1] =	stream.indirect_vreg.gather [hbm4b:s5+s3], $0x80, v5, vm0, $0xb8;
	[tilespmem:$0x11200] =	vst v63  }
0x53: {  	v4 =	vadd.s32 v1, v4  }
0x54: {  	[tilespmem:s24], [sflag:$0x1] =	stream.indirect_vreg.gather [hbm4b:s6+s3], $0x80, v5, vm0, $0xb8;
	[tilespmem:$0x11200] =	vst v63  }
0x55: {  	_ = 	snop  }
0x56: {  	[tilespmem:s25], [sflag:$0x1] =	stream.indirect_vreg.gather [hbm4b:s7+s3], $0x80, v5, vm0, $0xb8;
	[tilespmem:$0x11200] =	vst v63  }
0x57: {  	_ = 	snop  }
0x58: {  	[tilespmem:s26], [sflag:$0x1] =	stream.indirect_vreg.gather [hbm4b:s2+s3], $0x80, v4, vm0, $0xb8;
	[tilespmem:$0x11200] =	vst v63  }
0x59: {  	_ = 	snop  }
0x5a: {  	[tilespmem:s28], [sflag:$0x1] =	stream.indirect_vreg.gather [hbm4b:s5+s3], $0x80, v4, vm0, $0xb8;
	[tilespmem:$0x11200] =	vst v63  }
0x5b: {  	_ = 	snop  }
0x5c: {  	[tilespmem:s16], [sflag:$0x1] =	stream.indirect_vreg.gather [hbm4b:s6+s3], $0x80, v4, vm0, $0xb8;
	[tilespmem:$0x11200] =	vst v63  }
0x5d: {  	s1 =	simm.s32 $0xCA00  }
0x5e: {  	[tilespmem:s1], [sflag:$0x1] =	stream.indirect_vreg.gather [hbm4b:s7+s3], $0x80, v4, vm0, $0xb8;
	[tilespmem:$0x11200] =	vst v63  }
0x5f: {  	v4 =	vld [tilespmem:$0x90];
	_ =	sdelay $0x4  }
0x60: {  	v5 =	vshll.u32 v4, $0x3  }
0x61: {  	v4 =	vand.u32 $0x7, v4;
	v5 =	vand.u32 $0xFFFFFFC0, v5  }
0x62: {  	v4 =	vor.u32 v4, v5  }
0x63: {  	v5 =	vperm.xlane v4, v0;
	_ =	sdelay $0x1  }
0x64: {  	v5 =	vadd.s32 v1, v5;
	_ =	sdelay $0x3  }
0x65: {  	s1 =	simm.s32 $0xD200  }
0x66: {  	[tilespmem:s1], [sflag:$0x1] =	stream.indirect_vreg.gather [hbm4b:s2+s3], $0x80, v5, vm0, $0xb8;
	[tilespmem:$0x11200] =	vst v63  }
0x67: {  	v4 =	vperm.xlane v4, v2;
	s1 =	simm.s32 $0xDA00  }
0x68: {  	[tilespmem:s1], [sflag:$0x1] =	stream.indirect_vreg.gather [hbm4b:s5+s3], $0x80, v5, vm0, $0xb8;
	[tilespmem:$0x11200] =	vst v63  }
0x69: {  	v4 =	vadd.s32 v1, v4;
	s1 =	simm.s32 $0xE200  }
0x6a: {  	[tilespmem:s1], [sflag:$0x1] =	stream.indirect_vreg.gather [hbm4b:s6+s3], $0x80, v5, vm0, $0xb8;
	[tilespmem:$0x11200] =	vst v63  }
0x6b: {  	s1 =	simm.s32 $0xEA00  }
0x6c: {  	[tilespmem:s1], [sflag:$0x1] =	stream.indirect_vreg.gather [hbm4b:s7+s3], $0x80, v5, vm0, $0xb8;
	[tilespmem:$0x11200] =	vst v63  }
0x6d: {  	s1 =	simm.s32 $0xF200  }
0x6e: {  	[tilespmem:s1], [sflag:$0x1] =	stream.indirect_vreg.gather [hbm4b:s2+s3], $0x80, v4, vm0, $0xb8;
	[tilespmem:$0x11200] =	vst v63  }
0x6f: {  	s1 =	simm.s32 $0xFA00  }
0x70: {  	[tilespmem:s1], [sflag:$0x1] =	stream.indirect_vreg.gather [hbm4b:s5+s3], $0x80, v4, vm0, $0xb8;
	[tilespmem:$0x11200] =	vst v63  }
0x71: {  	s1 =	simm.s32 $0x10200  }
0x72: {  	[tilespmem:s1], [sflag:$0x1] =	stream.indirect_vreg.gather [hbm4b:s6+s3], $0x80, v4, vm0, $0xb8;
	[tilespmem:$0x11200] =	vst v63  }
0x73: {  	s1 =	simm.s32 $0x10A00  }
0x74: {  	[tilespmem:s1], [sflag:$0x1] =	stream.indirect_vreg.gather [hbm4b:s7+s3], $0x80, v4, vm0, $0xb8;
	[tilespmem:$0x11200] =	vst v63  }
0x75: {  	_ =	swait.ge [sflag:s0], $0x8000  }
0x76: {  	[sflag:s0] =	ssyncset.done $0x0  }
0x77: {  	s1 =	rddreg [dreg:$0x6];
	[sflag:s0] =	ssyncadd.s32 $0xFFFF8000  }
0x78: {  	[hbm4b:s1+s3] =	stream.linear.scatter [tilespmem:s8], [sflag:$0x3], $0x8000, $0x38;
	[tilespmem:$0x11200] =	vst v63  }
0x79: {  	v4 =	vld [tilespmem:$0x100];
	_ =	sdelay $0x4  }
0x7a: {  	v5 =	vshll.u32 v4, $0x3  }
0x7b: {  	v4 =	vand.u32 $0x7, v4;
	v5 =	vand.u32 $0xFFFFFFC0, v5  }
0x7c: {  	v4 =	vor.u32 v4, v5  }
0x7d: {  	v5 =	vperm.xlane v4, v0;
	_ =	sdelay $0x1  }
0x7e: {  	v5 =	vadd.s32 v1, v5;
	_ =	sdelay $0x4  }
0x7f: {  	[tilespmem:s4], [sflag:$0x1] =	stream.indirect_vreg.gather [hbm4b:s2+s3], $0x80, v5, vm0, $0xb8;
	[tilespmem:$0x11200] =	vst v63  }
0x80: {  	v4 =	vperm.xlane v4, v2  }
0x81: {  	[tilespmem:s30], [sflag:$0x1] =	stream.indirect_vreg.gather [hbm4b:s5+s3], $0x80, v5, vm0, $0xb8;
	[tilespmem:$0x11200] =	vst v63  }
0x82: {  	v4 =	vadd.s32 v1, v4  }
0x83: {  	[tilespmem:s31], [sflag:$0x1] =	stream.indirect_vreg.gather [hbm4b:s6+s3], $0x80, v5, vm0, $0xb8;
	[tilespmem:$0x11200] =	vst v63  }
0x84: {  	s1 =	simm.s32 $0x2A00  }
0x85: {  	[tilespmem:s1], [sflag:$0x1] =	stream.indirect_vreg.gather [hbm4b:s7+s3], $0x80, v5, vm0, $0xb8;
	[tilespmem:$0x11200] =	vst v63  }
0x86: {  	_ = 	snop  }
0x87: {  	[tilespmem:s9], [sflag:$0x1] =	stream.indirect_vreg.gather [hbm4b:s2+s3], $0x80, v4, vm0, $0xb8;
	[tilespmem:$0x11200] =	vst v63  }
0x88: {  	_ = 	snop  }
0x89: {  	[tilespmem:s10], [sflag:$0x1] =	stream.indirect_vreg.gather [hbm4b:s5+s3], $0x80, v4, vm0, $0xb8;
	[tilespmem:$0x11200] =	vst v63  }
0x8a: {  	_ = 	snop  }
0x8b: {  	[tilespmem:s11], [sflag:$0x1] =	stream.indirect_vreg.gather [hbm4b:s6+s3], $0x80, v4, vm0, $0xb8;
	[tilespmem:$0x11200] =	vst v63  }
0x8c: {  	_ = 	snop  }
0x8d: {  	[tilespmem:s12], [sflag:$0x1] =	stream.indirect_vreg.gather [hbm4b:s7+s3], $0x80, v4, vm0, $0xb8;
	[tilespmem:$0x11200] =	vst v63  }
0x8e: {  	v4 =	vld [tilespmem:$0x110];
	_ =	sdelay $0x4  }
0x8f: {  	v5 =	vshll.u32 v4, $0x3  }
0x90: {  	v4 =	vand.u32 $0x7, v4;
	v5 =	vand.u32 $0xFFFFFFC0, v5  }
0x91: {  	v4 =	vor.u32 v4, v5  }
0x92: {  	v5 =	vperm.xlane v4, v0;
	_ =	sdelay $0x1  }
0x93: {  	v5 =	vadd.s32 v1, v5;
	_ =	sdelay $0x4  }
0x94: {  	[tilespmem:s17], [sflag:$0x1] =	stream.indirect_vreg.gather [hbm4b:s2+s3], $0x80, v5, vm0, $0xb8;
	[tilespmem:$0x11200] =	vst v63  }
0x95: {  	v4 =	vperm.xlane v4, v2  }
0x96: {  	[tilespmem:s13], [sflag:$0x1] =	stream.indirect_vreg.gather [hbm4b:s5+s3], $0x80, v5, vm0, $0xb8;
	[tilespmem:$0x11200] =	vst v63  }
0x97: {  	v4 =	vadd.s32 v1, v4  }
0x98: {  	[tilespmem:s18], [sflag:$0x1] =	stream.indirect_vreg.gather [hbm4b:s6+s3], $0x80, v5, vm0, $0xb8;
	[tilespmem:$0x11200] =	vst v63  }
0x99: {  	_ = 	snop  }
0x9a: {  	[tilespmem:s14], [sflag:$0x1] =	stream.indirect_vreg.gather [hbm4b:s7+s3], $0x80, v5, vm0, $0xb8;
	[tilespmem:$0x11200] =	vst v63  }
0x9b: {  	_ = 	snop  }
0x9c: {  	[tilespmem:s19], [sflag:$0x1] =	stream.indirect_vreg.gather [hbm4b:s2+s3], $0x80, v4, vm0, $0xb8;
	[tilespmem:$0x11200] =	vst v63  }
0x9d: {  	_ = 	snop  }
0x9e: {  	[tilespmem:s20], [sflag:$0x1] =	stream.indirect_vreg.gather [hbm4b:s5+s3], $0x80, v4, vm0, $0xb8;
	[tilespmem:$0x11200] =	vst v63  }
0x9f: {  	_ = 	snop  }
0xa0: {  	[tilespmem:s21], [sflag:$0x1] =	stream.indirect_vreg.gather [hbm4b:s6+s3], $0x80, v4, vm0, $0xb8;
	[tilespmem:$0x11200] =	vst v63  }
0xa1: {  	_ = 	snop  }
0xa2: {  	[tilespmem:s22], [sflag:$0x1] =	stream.indirect_vreg.gather [hbm4b:s7+s3], $0x80, v4, vm0, $0xb8;
	[tilespmem:$0x11200] =	vst v63  }
0xa3: {  	_ =	swait.ge [sflag:s0], $0x8000  }
0xa4: {  	[sflag:s0] =	ssyncset.done $0x0  }
0xa5: {  	s1 =	rddreg [dreg:$0x7];
	[sflag:s0] =	ssyncadd.s32 $0xFFFF8000  }
0xa6: {  	[hbm4b:s1+s3] =	stream.linear.scatter [tilespmem:s4], [sflag:$0x2], $0x8000, $0x38;
	[tilespmem:$0x11200] =	vst v63  }
0xa7: {  	v4 =	vld [tilespmem:$0x180];
	_ =	sdelay $0x4  }
0xa8: {  	v5 =	vshll.u32 v4, $0x3  }
0xa9: {  	v4 =	vand.u32 $0x7, v4;
	v5 =	vand.u32 $0xFFFFFFC0, v5  }
0xaa: {  	v4 =	vor.u32 v4, v5  }
0xab: {  	v5 =	vperm.xlane v4, v0;
	_ =	sdelay $0x1  }
0xac: {  	v5 =	vadd.s32 v1, v5;
	_ =	sdelay $0x4  }
0xad: {  	[tilespmem:s8], [sflag:$0x1] =	stream.indirect_vreg.gather [hbm4b:s2+s3], $0x80, v5, vm0, $0xb8;
	[tilespmem:$0x11200] =	vst v63  }
0xae: {  	v4 =	vperm.xlane v4, v2  }
0xaf: {  	[tilespmem:s23], [sflag:$0x1] =	stream.indirect_vreg.gather [hbm4b:s5+s3], $0x80, v5, vm0, $0xb8;
	[tilespmem:$0x11200] =	vst v63  }
0xb0: {  	v4 =	vadd.s32 v1, v4  }
0xb1: {  	[tilespmem:s24], [sflag:$0x1] =	stream.indirect_vreg.gather [hbm4b:s6+s3], $0x80, v5, vm0, $0xb8;
	[tilespmem:$0x11200] =	vst v63  }
0xb2: {  	_ = 	snop  }
0xb3: {  	[tilespmem:s25], [sflag:$0x1] =	stream.indirect_vreg.gather [hbm4b:s7+s3], $0x80, v5, vm0, $0xb8;
	[tilespmem:$0x11200] =	vst v63  }
0xb4: {  	_ = 	snop  }
0xb5: {  	[tilespmem:s26], [sflag:$0x1] =	stream.indirect_vreg.gather [hbm4b:s2+s3], $0x80, v4, vm0, $0xb8;
	[tilespmem:$0x11200] =	vst v63  }
0xb6: {  	_ = 	snop  }
0xb7: {  	[tilespmem:s28], [sflag:$0x1] =	stream.indirect_vreg.gather [hbm4b:s5+s3], $0x80, v4, vm0, $0xb8;
	[tilespmem:$0x11200] =	vst v63  }
0xb8: {  	_ = 	snop  }
0xb9: {  	[tilespmem:s16], [sflag:$0x1] =	stream.indirect_vreg.gather [hbm4b:s6+s3], $0x80, v4, vm0, $0xb8;
	[tilespmem:$0x11200] =	vst v63  }
0xba: {  	s1 =	simm.s32 $0xCA00  }
0xbb: {  	[tilespmem:s1], [sflag:$0x1] =	stream.indirect_vreg.gather [hbm4b:s7+s3], $0x80, v4, vm0, $0xb8;
	[tilespmem:$0x11200] =	vst v63  }
0xbc: {  	v4 =	vld [tilespmem:$0x190];
	_ =	sdelay $0x4  }
0xbd: {  	v5 =	vshll.u32 v4, $0x3  }
0xbe: {  	v4 =	vand.u32 $0x7, v4;
	v5 =	vand.u32 $0xFFFFFFC0, v5  }
0xbf: {  	v4 =	vor.u32 v4, v5  }
0xc0: {  	v5 =	vperm.xlane v4, v0;
	_ =	sdelay $0x1  }
0xc1: {  	v5 =	vadd.s32 v1, v5;
	_ =	sdelay $0x3  }
0xc2: {  	s1 =	simm.s32 $0xD200  }
0xc3: {  	[tilespmem:s1], [sflag:$0x1] =	stream.indirect_vreg.gather [hbm4b:s2+s3], $0x80, v5, vm0, $0xb8;
	[tilespmem:$0x11200] =	vst v63  }
0xc4: {  	v4 =	vperm.xlane v4, v2;
	s1 =	simm.s32 $0xDA00  }
0xc5: {  	[tilespmem:s1], [sflag:$0x1] =	stream.indirect_vreg.gather [hbm4b:s5+s3], $0x80, v5, vm0, $0xb8;
	[tilespmem:$0x11200] =	vst v63  }
0xc6: {  	v4 =	vadd.s32 v1, v4;
	s1 =	simm.s32 $0xE200  }
0xc7: {  	[tilespmem:s1], [sflag:$0x1] =	stream.indirect_vreg.gather [hbm4b:s6+s3], $0x80, v5, vm0, $0xb8;
	[tilespmem:$0x11200] =	vst v63  }
0xc8: {  	s1 =	simm.s32 $0xEA00  }
0xc9: {  	[tilespmem:s1], [sflag:$0x1] =	stream.indirect_vreg.gather [hbm4b:s7+s3], $0x80, v5, vm0, $0xb8;
	[tilespmem:$0x11200] =	vst v63  }
0xca: {  	s1 =	simm.s32 $0xF200  }
0xcb: {  	[tilespmem:s1], [sflag:$0x1] =	stream.indirect_vreg.gather [hbm4b:s2+s3], $0x80, v4, vm0, $0xb8;
	[tilespmem:$0x11200] =	vst v63  }
0xcc: {  	s1 =	simm.s32 $0xFA00  }
0xcd: {  	[tilespmem:s1], [sflag:$0x1] =	stream.indirect_vreg.gather [hbm4b:s5+s3], $0x80, v4, vm0, $0xb8;
	[tilespmem:$0x11200] =	vst v63  }
0xce: {  	s1 =	simm.s32 $0x10200  }
0xcf: {  	[tilespmem:s1], [sflag:$0x1] =	stream.indirect_vreg.gather [hbm4b:s6+s3], $0x80, v4, vm0, $0xb8;
	[tilespmem:$0x11200] =	vst v63  }
0xd0: {  	s1 =	simm.s32 $0x10A00  }
0xd1: {  	[tilespmem:s1], [sflag:$0x1] =	stream.indirect_vreg.gather [hbm4b:s7+s3], $0x80, v4, vm0, $0xb8;
	[tilespmem:$0x11200] =	vst v63  }
0xd2: {  	_ =	swait.ge [sflag:s0], $0x8000  }
0xd3: {  	[sflag:s0] =	ssyncset.done $0x0  }
0xd4: {  	s1 =	rddreg [dreg:$0x8];
	[sflag:s0] =	ssyncadd.s32 $0xFFFF8000  }
0xd5: {  	[hbm4b:s1+s3] =	stream.linear.scatter [tilespmem:s8], [sflag:$0x3], $0x8000, $0x38;
	[tilespmem:$0x11200] =	vst v63  }
0xd6: {  	s4 =	simm.s32 $0x200;
	s1 =	rddreg [dreg:$0x9]  }
0xd7: {  	[tilespmem:s4], [sflag:$0x4] =	stream.linear.gather [hbm4b:s1+s3], $0x1000, $0x38;
	[tilespmem:$0x11200] =	vst v63  }
0xd8: {  	_ =	swait.ge [sflag:s15], $0x1000  }
0xd9: {  	[sflag:s15] =	ssyncset.done $0x0  }
0xda: {  	s30 =	simm.s32 $0x0;
	[sflag:s15] =	ssyncadd.s32 $0xFFFFF000  }
0xdb: {  	s31 =	simm.s32 $0x200;
	v4 =	vld [tilespmem:s30+$0x200]  }
.LBB2_2:
0xdc: {  	p0 =	sne.s32 s31, $0x3E00;
	v5 =	vld [tilespmem:s30+$0x210];
	_ =	sdelay $0x2  }
.Ltmp0:
0xdd: {  	(pc) =	sbr.rel @p0 .LBB2_2-.Ltmp0, $4  }
0xde: {  	vm1 =	veq.s32 v4, $0x0  }
0xdf: {  	v4 =	vsel vm1, $0x1, v3;
	vm1 =	veq.s32 v5, $0x0  }
0xe0: {  	s1 =	sshra.s32 s31, $0x2;
	[tilespmem:s30+$0x200] =	vst v4;
	v5 =	vsel vm1, $0x1, v3  }
0xe1: {  	s31 =	sadd.s32 $0x200, s31;
	v4 =	vld [tilespmem:s1+$0x200];
	[tilespmem:s30+$0x210] =	vst v5;
	s30 =	smov.u32 s1  }
0xe2: {  	v5 =	vld [tilespmem:s30+$0x210];
	_ =	sdelay $0x3  }
0xe3: {  	vm1 =	veq.s32 v4, $0x0  }
0xe4: {  	v4 =	vsel vm1, $0x1, v3;
	vm1 =	veq.s32 v5, $0x0  }
0xe5: {  	[tilespmem:s30+$0x200] =	vst v4;
	v4 =	vsel vm1, $0x1, v3  }
0xe6: {  	s1 =	rddreg [dreg:$0xa];
	[tilespmem:s30+$0x210] =	vst v4  }
0xe7: {  	[hbm4b:s1+s3] =	stream.linear.scatter [tilespmem:s4], [sflag:$0x4], $0x1000, $0x38;
	[tilespmem:$0x11200] =	vst v63  }
0xe8: {  	_ =	swait.ge [sflag:s15], $0x1000  }
0xe9: {  	[sflag:s15] =	ssyncset.done $0x0  }
0xea: {  	s4 =	simm.s32 $0x2;
	[sflag:s15] =	ssyncadd.s32 $0xFFFFF000  }
0xeb: {  	_ =	swait.ge [sflag:s4], $0x8000  }
0xec: {  	[sflag:s4] =	ssyncset.done $0x0  }
0xed: {  	s30 =	simm.s32 $0x3;
	[sflag:s4] =	ssyncadd.s32 $0xFFFF8000  }
0xee: {  	_ =	swait.ge [sflag:s30], $0x8000  }
0xef: {  	s29 =	sadd.s32 $0x1, s29;
	s31 =	rddreg [dreg:$0xb]  }
0xf0: {  	p0 =	sne.s32 s29, s31  }
.Ltmp1:
0xf1: {  	_ = 	snop;
	(pc) =	sbr.rel @p0 .LBB2_1-.Ltmp1, $3  }
0xf2: {  	_ =	sdelay $0x1  }
0xf3: {  	[sflag:s30] =	ssyncset.done $0x0  }
0xf4: {  	[sflag:s30] =	ssyncadd.s32 $0xFFFF8000  }
0xf5: {  	_ =	sfence.sel $0x180000  }
0xf6: {  	[bflag:$0x0] =	sbarrier.arrive $0xFFFF  }
0xf7: {  	_ =	strace $0x90000047  }
0xf8: {  	s0 =	stileid.u32;
	[bflag:$0x2] =	sbarrier.arrive $0xFFFF  }
0xf9: {  	p0 =	sne.s32 s0, $0x0;
	s0 =	rddreg [dreg:$0x3]  }
0xfa: {  	s0 =	sadd.s32 @!p0 $0x100000, s0  }
0xfb: {  	[sflag:s0] =	ssyncadd.tile.s32 @!p0 $0x1;
	_ =	shalt  }
.Lfunc_end2:
_tile_overlayer_lowered:
.L_overlay_start_2:
0xfc: {  	(tag) =	ssettag $0x2  }
0xfd: {  	s0 =	rddreg [dreg:$0x0];
	s2 =	stileid.u32  }
0xfe: {  	s1 =	rddreg [dreg:$0x1];
	p0 =	sne.s32 s2, $0x0  }
0xff: {  	s3 =	rddreg [dreg:$0x2];
	[bflag:$0x3] =	sbarrier.arrive $0xFFFF;
	s2 =	simm.s32 @!p0 $0x1C04  }
0x100: {  	[timem:s3], [sflag:s2] =	dma.local @!p0 [hbm:s0], s1  }
0x101: {  	s0 =	simm.s32 @!p0 $0x4  }
0x102: {  	_ =	swait.ge @!p0 [sflag:s0], s1  }
0x103: {  	s1 =	ssub.s32 @!p0 $0x0, s1;
	[sflag:s0] =	ssyncset.done @!p0 $0x0  }
0x104: {  	[sflag:s0] =	ssyncadd.s32 @!p0 s1  }
0x105: {  	[bflag:$0x3] =	sbarrier.arrive $0xFFFF  }
0x106: {  	_ =	shalt  }

</sc_bundles>
